<compile_context>
chip_gen: v7x
topology: tpu7x:2x2x1
jax: 0.10.2.dev20260603
libtpu: 0.0.44.dev20260713+nightly
codegen_flags: <defaults>
</compile_context>

<pallas_src>
import functools

import jax
import jax.numpy as jnp
from jax import lax
from jax.experimental import pallas as pl
from jax.experimental.pallas import tpu as pltpu
from jax.experimental.pallas import tpu_sc as plsc

VOCAB = 100000
EMB = 128
BATCH = 4096
HIST = 200

NC = 2
NS = 16
NW = NC * NS
B = BATCH * HIST
BPW = B // NW
CH = 128
GPB = 2
ROWS = CH * GPB
NCHUNK = BPW // CH
NSTEP = BPW // ROWS
NBUF = 3
NG = NSTEP // NBUF

_mesh = plsc.VectorSubcoreMesh(core_axis_name="c", subcore_axis_name="s")


@functools.partial(
    pl.kernel,
    out_type=jax.ShapeDtypeStruct((B, EMB), jnp.float32),
    mesh=_mesh,
    scratch_types=[
        pltpu.VMEM((NCHUNK, CH), jnp.int32),
        [pltpu.VMEM((ROWS, EMB), jnp.float32)] * NBUF,
        [pltpu.SemaphoreType.DMA] * NBUF,
        [pltpu.SemaphoreType.DMA] * NBUF,
    ],
)
def _emb_lookup(table_hbm, idx_hbm, out_hbm, idx_v, rows, semg, semw):
    wid = lax.axis_index("s") * NC + lax.axis_index("c")
    base = wid * BPW

    pltpu.sync_copy(idx_hbm.at[wid], idx_v)

    def fill(step, k):
        for h in range(GPB):
            pltpu.async_copy(table_hbm.at[idx_v.at[step * GPB + h]],
                             rows[k].at[pl.ds(h * CH, CH)], semg[k])

    def fill_wait(k):
        for h in range(GPB):
            pltpu.make_async_copy(table_hbm.at[idx_v.at[0]],
                                  rows[k].at[pl.ds(h * CH, CH)],
                                  semg[k]).wait()

    for k in range(NBUF):
        fill(k, k)

    def body(g, carry):
        s0 = NBUF * g
        for k in range(NBUF):
            s = s0 + k
            fill_wait(k)
            pltpu.async_copy(rows[k], out_hbm.at[pl.ds(base + s * ROWS, ROWS)],
                             semw[k])
        for k in range(NBUF):
            ns = jnp.minimum(s0 + k + NBUF, NSTEP - 1)
            pltpu.make_async_copy(rows[k], out_hbm.at[pl.ds(base, ROWS)],
                                  semw[k]).wait()
            fill(ns, k)
        return carry

    lax.fori_loop(0, NG, body, 0)

    consumed = set()
    for s in range(NG * NBUF, NSTEP):
        k = s % NBUF
        fill_wait(k)
        consumed.add(k)
        pltpu.sync_copy(rows[k], out_hbm.at[pl.ds(base + s * ROWS, ROWS)])
    for k in range(NBUF):
        if k not in consumed:
            fill_wait(k)


def kernel(x, table):
    idx = x.astype(jnp.int32).reshape(NW, NCHUNK, CH)
    out = _emb_lookup(table.astype(jnp.float32), idx)
    return out.reshape(BATCH, HIST, EMB)

# --- scband reference (transcript-rebuilt; emitter-appended) ---
"""Pipeline reference for scband-tgt-text-embeddings-38508676776109 (READ-ONLY COPY).

The authoritative reference and input builder live on the scoring server;
editing this copy changes nothing except your own understanding.
"""

import jax, jax.numpy as jnp
import numpy as np

VOCAB = 100000
EMB = 128
BATCH = 4096
HIST = 200

def setup_inputs(seed: int = 0) -> dict:
    key = jax.random.key(seed)
    k_idx, k_tab = jax.random.split(key)
    x = jax.random.randint(k_idx, (BATCH, HIST), 0, VOCAB, dtype=jnp.int64)
    table = jax.random.normal(k_tab, (VOCAB, EMB), dtype=jnp.float32)
    return {"x": x, "table": table}

def reference(x, table):
    # nn.Embedding forward: gather rows of the embedding table
    return jnp.take(table, x, axis=0)

if __name__ == "__main__":
    import jax
    _d = setup_inputs()
    print(jax.jit(kernel)(*tuple(_d.values())))

</pallas_src>

<mosaic_0001>
#map = affine_map<(d0, d1) -> (0, 0)>
#map1 = affine_map<(d0, d1) -> (0, 0, 0)>
module attributes {stable_mosaic.version = 14 : i64} {
  func.func @_emb_lookup(%arg0: i32, %arg1: i32, %arg2: memref<100000x128xf32, #tpu.memory_space<hbm>>, %arg3: memref<32x200x128xi32, #tpu.memory_space<hbm>>, %arg4: memref<819200x128xf32, #tpu.memory_space<hbm>>, %arg5: memref<200x128xi32, #tpu.memory_space<vmem>>, %arg6: memref<256x128xf32, #tpu.memory_space<vmem>>, %arg7: memref<256x128xf32, #tpu.memory_space<vmem>>, %arg8: memref<256x128xf32, #tpu.memory_space<vmem>>, %arg9: memref<!tpu.dma_semaphore, #tpu.memory_space<semaphore_mem>>, %arg10: memref<!tpu.dma_semaphore, #tpu.memory_space<semaphore_mem>>, %arg11: memref<!tpu.dma_semaphore, #tpu.memory_space<semaphore_mem>>, %arg12: memref<!tpu.dma_semaphore, #tpu.memory_space<semaphore_mem>>, %arg13: memref<!tpu.dma_semaphore, #tpu.memory_space<semaphore_mem>>, %arg14: memref<!tpu.dma_semaphore, #tpu.memory_space<semaphore_mem>>) attributes {dimension_semantics = [#tpu.dimension_semantics<core_parallel>, #tpu.dimension_semantics<subcore_parallel>], iteration_bounds = array<i64: 2, 16>, scalar_prefetch = 0 : i64, scratch_operands = 10 : i64, tpu.core_type = #tpu.core_type<sc_vector_subcore>, window_params = [{transform_indices = #map}, {transform_indices = #map1}, {transform_indices = #map}]} {
    %mul3A = arith.constant 2 : i32
    %mul3A_0 = arith.muli %arg1, %mul3A : i32
    %add3A = arith.addi %mul3A_0, %arg0 : i32
    %mul3A_1 = arith.constant 25600 : i32
    %mul3A_2 = arith.muli %add3A, %mul3A_1 : i32
    "tpu.region"() ({
      %run_scoped3A = tpu.sem_alloc : memref<!tpu.dma_semaphore, #tpu.memory_space<semaphore_mem>>
      %dma_start3A_128 = arith.constant 0 : i32
      %dma_start3A_129 = arith.constant 0 : i32
      %dma_start3A_130 = tpu.memref_slice %arg3[%add3A, %dma_start3A_128, %dma_start3A_129] : memref<32x200x128xi32, #tpu.memory_space<hbm>> -> memref<1x200x128xi32, #tpu.memory_space<hbm>>
      %dma_start3A_131 = tpu.memref_squeeze %dma_start3A_130 : memref<1x200x128xi32, #tpu.memory_space<hbm>> -> memref<200x128xi32, #tpu.memory_space<hbm>>
      %dma_start3A_132 = arith.constant 0 : i32
      %dma_start3A_133 = arith.constant 0 : i32
      %dma_start3A_134 = tpu.memref_slice %arg3[%add3A, %dma_start3A_132, %dma_start3A_133] : memref<32x200x128xi32, #tpu.memory_space<hbm>> -> memref<1x200x128xi32, #tpu.memory_space<hbm>>
      %dma_start3A_135 = tpu.memref_squeeze %dma_start3A_134 : memref<1x200x128xi32, #tpu.memory_space<hbm>> -> memref<200x128xi32, #tpu.memory_space<hbm>>
      tpu.enqueue_dma source(%dma_start3A_135 : memref<200x128xi32, #tpu.memory_space<hbm>>) target(%arg5 : memref<200x128xi32, #tpu.memory_space<vmem>>) target_semaphore(%run_scoped3A : memref<!tpu.dma_semaphore, #tpu.memory_space<semaphore_mem>>)
      %dma_wait3A_136 = arith.constant 0 : i32
      %dma_wait3A_137 = arith.constant 0 : i32
      %dma_wait3A_138 = tpu.memref_slice %arg3[%add3A, %dma_wait3A_136, %dma_wait3A_137] : memref<32x200x128xi32, #tpu.memory_space<hbm>> -> memref<1x200x128xi32, #tpu.memory_space<hbm>>
      %dma_wait3A_139 = tpu.memref_squeeze %dma_wait3A_138 : memref<1x200x128xi32, #tpu.memory_space<hbm>> -> memref<200x128xi32, #tpu.memory_space<hbm>>
      %dma_wait3A_140 = arith.constant 0 : i32
      %dma_wait3A_141 = arith.constant 0 : i32
      %dma_wait3A_142 = tpu.memref_slice %arg3[%add3A, %dma_wait3A_140, %dma_wait3A_141] : memref<32x200x128xi32, #tpu.memory_space<hbm>> -> memref<1x200x128xi32, #tpu.memory_space<hbm>>
      %dma_wait3A_143 = tpu.memref_squeeze %dma_wait3A_142 : memref<1x200x128xi32, #tpu.memory_space<hbm>> -> memref<200x128xi32, #tpu.memory_space<hbm>>
      tpu.wait_dma2 semaphore(%run_scoped3A : memref<!tpu.dma_semaphore, #tpu.memory_space<semaphore_mem>>) src(%dma_wait3A_143 : memref<200x128xi32, #tpu.memory_space<hbm>>) dst(%arg5 : memref<200x128xi32, #tpu.memory_space<vmem>>)
      tpu.yield
    }) : () -> ()
    %dma_start3A = arith.constant 0 : i32
    %dma_start3A_3 = arith.constant 0 : i32
    %dma_start3A_4 = arith.constant 0 : i32
    %dma_start3A_5 = tpu.memref_slice %arg6[%dma_start3A_3, %dma_start3A_4] : memref<256x128xf32, #tpu.memory_space<vmem>> -> memref<128x128xf32, #tpu.memory_space<vmem>>
    %dma_start3A_6 = arith.constant 0 : i32
    %dma_start3A_7 = tpu.memref_slice %arg5[%dma_start3A, %dma_start3A_6] : memref<200x128xi32, #tpu.memory_space<vmem>> -> memref<1x128xi32, #tpu.memory_space<vmem>>
    %dma_start3A_8 = tpu.memref_squeeze %dma_start3A_7 : memref<1x128xi32, #tpu.memory_space<vmem>> -> memref<128xi32, #tpu.memory_space<vmem>>
    %dma_start3A_9 = arith.constant 0 : i32
    %dma_start3A_10 = arith.constant 0 : i32
    %dma_start3A_11 = tpu.memref_slice %arg2[%dma_start3A_9, %dma_start3A_10] : memref<100000x128xf32, #tpu.memory_space<hbm>> -> memref<100000x128xf32, #tpu.memory_space<hbm>>
    tpu.enqueue_indirect_dma source(%dma_start3A_11 : memref<100000x128xf32, #tpu.memory_space<hbm>>) target(%dma_start3A_5 : memref<128x128xf32, #tpu.memory_space<vmem>>) offsets(%dma_start3A_8 : memref<128xi32, #tpu.memory_space<vmem>>) semaphore(%arg9 : memref<!tpu.dma_semaphore, #tpu.memory_space<semaphore_mem>>)
    %dma_start3A_12 = arith.constant 1 : i32
    %dma_start3A_13 = arith.constant 128 : i32
    %dma_start3A_14 = arith.constant 0 : i32
    %dma_start3A_15 = tpu.memref_slice %arg6[%dma_start3A_13, %dma_start3A_14] : memref<256x128xf32, #tpu.memory_space<vmem>> -> memref<128x128xf32, #tpu.memory_space<vmem>>
    %dma_start3A_16 = arith.constant 0 : i32
    %dma_start3A_17 = tpu.memref_slice %arg5[%dma_start3A_12, %dma_start3A_16] : memref<200x128xi32, #tpu.memory_space<vmem>> -> memref<1x128xi32, #tpu.memory_space<vmem>>
    %dma_start3A_18 = tpu.memref_squeeze %dma_start3A_17 : memref<1x128xi32, #tpu.memory_space<vmem>> -> memref<128xi32, #tpu.memory_space<vmem>>
    %dma_start3A_19 = arith.constant 0 : i32
    %dma_start3A_20 = arith.constant 0 : i32
    %dma_start3A_21 = tpu.memref_slice %arg2[%dma_start3A_19, %dma_start3A_20] : memref<100000x128xf32, #tpu.memory_space<hbm>> -> memref<100000x128xf32, #tpu.memory_space<hbm>>
    tpu.enqueue_indirect_dma source(%dma_start3A_21 : memref<100000x128xf32, #tpu.memory_space<hbm>>) target(%dma_start3A_15 : memref<128x128xf32, #tpu.memory_space<vmem>>) offsets(%dma_start3A_18 : memref<128xi32, #tpu.memory_space<vmem>>) semaphore(%arg9 : memref<!tpu.dma_semaphore, #tpu.memory_space<semaphore_mem>>)
    %dma_start3A_22 = arith.constant 2 : i32
    %dma_start3A_23 = arith.constant 0 : i32
    %dma_start3A_24 = arith.constant 0 : i32
    %dma_start3A_25 = tpu.memref_slice %arg7[%dma_start3A_23, %dma_start3A_24] : memref<256x128xf32, #tpu.memory_space<vmem>> -> memref<128x128xf32, #tpu.memory_space<vmem>>
    %dma_start3A_26 = arith.constant 0 : i32
    %dma_start3A_27 = tpu.memref_slice %arg5[%dma_start3A_22, %dma_start3A_26] : memref<200x128xi32, #tpu.memory_space<vmem>> -> memref<1x128xi32, #tpu.memory_space<vmem>>
    %dma_start3A_28 = tpu.memref_squeeze %dma_start3A_27 : memref<1x128xi32, #tpu.memory_space<vmem>> -> memref<128xi32, #tpu.memory_space<vmem>>
    %dma_start3A_29 = arith.constant 0 : i32
    %dma_start3A_30 = arith.constant 0 : i32
    %dma_start3A_31 = tpu.memref_slice %arg2[%dma_start3A_29, %dma_start3A_30] : memref<100000x128xf32, #tpu.memory_space<hbm>> -> memref<100000x128xf32, #tpu.memory_space<hbm>>
    tpu.enqueue_indirect_dma source(%dma_start3A_31 : memref<100000x128xf32, #tpu.memory_space<hbm>>) target(%dma_start3A_25 : memref<128x128xf32, #tpu.memory_space<vmem>>) offsets(%dma_start3A_28 : memref<128xi32, #tpu.memory_space<vmem>>) semaphore(%arg10 : memref<!tpu.dma_semaphore, #tpu.memory_space<semaphore_mem>>)
    %dma_start3A_32 = arith.constant 3 : i32
    %dma_start3A_33 = arith.constant 128 : i32
    %dma_start3A_34 = arith.constant 0 : i32
    %dma_start3A_35 = tpu.memref_slice %arg7[%dma_start3A_33, %dma_start3A_34] : memref<256x128xf32, #tpu.memory_space<vmem>> -> memref<128x128xf32, #tpu.memory_space<vmem>>
    %dma_start3A_36 = arith.constant 0 : i32
    %dma_start3A_37 = tpu.memref_slice %arg5[%dma_start3A_32, %dma_start3A_36] : memref<200x128xi32, #tpu.memory_space<vmem>> -> memref<1x128xi32, #tpu.memory_space<vmem>>
    %dma_start3A_38 = tpu.memref_squeeze %dma_start3A_37 : memref<1x128xi32, #tpu.memory_space<vmem>> -> memref<128xi32, #tpu.memory_space<vmem>>
    %dma_start3A_39 = arith.constant 0 : i32
    %dma_start3A_40 = arith.constant 0 : i32
    %dma_start3A_41 = tpu.memref_slice %arg2[%dma_start3A_39, %dma_start3A_40] : memref<100000x128xf32, #tpu.memory_space<hbm>> -> memref<100000x128xf32, #tpu.memory_space<hbm>>
    tpu.enqueue_indirect_dma source(%dma_start3A_41 : memref<100000x128xf32, #tpu.memory_space<hbm>>) target(%dma_start3A_35 : memref<128x128xf32, #tpu.memory_space<vmem>>) offsets(%dma_start3A_38 : memref<128xi32, #tpu.memory_space<vmem>>) semaphore(%arg10 : memref<!tpu.dma_semaphore, #tpu.memory_space<semaphore_mem>>)
    %dma_start3A_42 = arith.constant 4 : i32
    %dma_start3A_43 = arith.constant 0 : i32
    %dma_start3A_44 = arith.constant 0 : i32
    %dma_start3A_45 = tpu.memref_slice %arg8[%dma_start3A_43, %dma_start3A_44] : memref<256x128xf32, #tpu.memory_space<vmem>> -> memref<128x128xf32, #tpu.memory_space<vmem>>
    %dma_start3A_46 = arith.constant 0 : i32
    %dma_start3A_47 = tpu.memref_slice %arg5[%dma_start3A_42, %dma_start3A_46] : memref<200x128xi32, #tpu.memory_space<vmem>> -> memref<1x128xi32, #tpu.memory_space<vmem>>
    %dma_start3A_48 = tpu.memref_squeeze %dma_start3A_47 : memref<1x128xi32, #tpu.memory_space<vmem>> -> memref<128xi32, #tpu.memory_space<vmem>>
    %dma_start3A_49 = arith.constant 0 : i32
    %dma_start3A_50 = arith.constant 0 : i32
    %dma_start3A_51 = tpu.memref_slice %arg2[%dma_start3A_49, %dma_start3A_50] : memref<100000x128xf32, #tpu.memory_space<hbm>> -> memref<100000x128xf32, #tpu.memory_space<hbm>>
    tpu.enqueue_indirect_dma source(%dma_start3A_51 : memref<100000x128xf32, #tpu.memory_space<hbm>>) target(%dma_start3A_45 : memref<128x128xf32, #tpu.memory_space<vmem>>) offsets(%dma_start3A_48 : memref<128xi32, #tpu.memory_space<vmem>>) semaphore(%arg11 : memref<!tpu.dma_semaphore, #tpu.memory_space<semaphore_mem>>)
    %dma_start3A_52 = arith.constant 5 : i32
    %dma_start3A_53 = arith.constant 128 : i32
    %dma_start3A_54 = arith.constant 0 : i32
    %dma_start3A_55 = tpu.memref_slice %arg8[%dma_start3A_53, %dma_start3A_54] : memref<256x128xf32, #tpu.memory_space<vmem>> -> memref<128x128xf32, #tpu.memory_space<vmem>>
    %dma_start3A_56 = arith.constant 0 : i32
    %dma_start3A_57 = tpu.memref_slice %arg5[%dma_start3A_52, %dma_start3A_56] : memref<200x128xi32, #tpu.memory_space<vmem>> -> memref<1x128xi32, #tpu.memory_space<vmem>>
    %dma_start3A_58 = tpu.memref_squeeze %dma_start3A_57 : memref<1x128xi32, #tpu.memory_space<vmem>> -> memref<128xi32, #tpu.memory_space<vmem>>
    %dma_start3A_59 = arith.constant 0 : i32
    %dma_start3A_60 = arith.constant 0 : i32
    %dma_start3A_61 = tpu.memref_slice %arg2[%dma_start3A_59, %dma_start3A_60] : memref<100000x128xf32, #tpu.memory_space<hbm>> -> memref<100000x128xf32, #tpu.memory_space<hbm>>
    tpu.enqueue_indirect_dma source(%dma_start3A_61 : memref<100000x128xf32, #tpu.memory_space<hbm>>) target(%dma_start3A_55 : memref<128x128xf32, #tpu.memory_space<vmem>>) offsets(%dma_start3A_58 : memref<128xi32, #tpu.memory_space<vmem>>) semaphore(%arg11 : memref<!tpu.dma_semaphore, #tpu.memory_space<semaphore_mem>>)
    %scan3A = arith.constant 0 : i32
    %scan3A_62 = arith.constant 0 : i32
    %scan3A_63 = arith.constant 33 : i32
    %scan3A_64 = arith.addi %scan3A_62, %scan3A_63 : i32
    %scan3A_65 = arith.constant 1 : i32
    scf.for %scan3A_128 = %scan3A_62 to %scan3A_64 step %scan3A_65  : i32 {
      %mul3A_129 = arith.constant 3 : i32
      %mul3A_130 = arith.muli %mul3A_129, %scan3A_128 : i32
      %add3A_131 = arith.constant 0 : i32
      %add3A_132 = arith.addi %mul3A_130, %add3A_131 : i32
      %dma_wait3A_133 = arith.constant 0 : i32
      %dma_wait3A_134 = arith.constant 0 : i32
      %dma_wait3A_135 = arith.constant 0 : i32
      %dma_wait3A_136 = tpu.memref_slice %arg6[%dma_wait3A_134, %dma_wait3A_135] : memref<256x128xf32, #tpu.memory_space<vmem>> -> memref<128x128xf32, #tpu.memory_space<vmem>>
      %dma_wait3A_137 = arith.constant 0 : i32
      %dma_wait3A_138 = tpu.memref_slice %arg5[%dma_wait3A_133, %dma_wait3A_137] : memref<200x128xi32, #tpu.memory_space<vmem>> -> memref<1x128xi32, #tpu.memory_space<vmem>>
      %dma_wait3A_139 = tpu.memref_squeeze %dma_wait3A_138 : memref<1x128xi32, #tpu.memory_space<vmem>> -> memref<128xi32, #tpu.memory_space<vmem>>
      %dma_wait3A_140 = arith.constant 0 : i32
      %dma_wait3A_141 = arith.constant 0 : i32
      %dma_wait3A_142 = tpu.memref_slice %arg2[%dma_wait3A_140, %dma_wait3A_141] : memref<100000x128xf32, #tpu.memory_space<hbm>> -> memref<100000x128xf32, #tpu.memory_space<hbm>>
      tpu.wait_indirect_dma semaphore(%arg9 : memref<!tpu.dma_semaphore, #tpu.memory_space<semaphore_mem>>) src(%dma_wait3A_142 : memref<100000x128xf32, #tpu.memory_space<hbm>>) dst(%dma_wait3A_136 : memref<128x128xf32, #tpu.memory_space<vmem>>)
      %dma_wait3A_143 = arith.constant 0 : i32
      %dma_wait3A_144 = arith.constant 128 : i32
      %dma_wait3A_145 = arith.constant 0 : i32
      %dma_wait3A_146 = tpu.memref_slice %arg6[%dma_wait3A_144, %dma_wait3A_145] : memref<256x128xf32, #tpu.memory_space<vmem>> -> memref<128x128xf32, #tpu.memory_space<vmem>>
      %dma_wait3A_147 = arith.constant 0 : i32
      %dma_wait3A_148 = tpu.memref_slice %arg5[%dma_wait3A_143, %dma_wait3A_147] : memref<200x128xi32, #tpu.memory_space<vmem>> -> memref<1x128xi32, #tpu.memory_space<vmem>>
      %dma_wait3A_149 = tpu.memref_squeeze %dma_wait3A_148 : memref<1x128xi32, #tpu.memory_space<vmem>> -> memref<128xi32, #tpu.memory_space<vmem>>
      %dma_wait3A_150 = arith.constant 0 : i32
      %dma_wait3A_151 = arith.constant 0 : i32
      %dma_wait3A_152 = tpu.memref_slice %arg2[%dma_wait3A_150, %dma_wait3A_151] : memref<100000x128xf32, #tpu.memory_space<hbm>> -> memref<100000x128xf32, #tpu.memory_space<hbm>>
      tpu.wait_indirect_dma semaphore(%arg9 : memref<!tpu.dma_semaphore, #tpu.memory_space<semaphore_mem>>) src(%dma_wait3A_152 : memref<100000x128xf32, #tpu.memory_space<hbm>>) dst(%dma_wait3A_146 : memref<128x128xf32, #tpu.memory_space<vmem>>)
      %mul3A_153 = arith.constant 256 : i32
      %mul3A_154 = arith.muli %add3A_132, %mul3A_153 : i32
      %add3A_155 = arith.addi %mul3A_2, %mul3A_154 : i32
      %dma_start3A_156 = arith.constant 0 : i32
      %dma_start3A_157 = tpu.memref_slice %arg4[%add3A_155, %dma_start3A_156] : memref<819200x128xf32, #tpu.memory_space<hbm>> -> memref<256x128xf32, #tpu.memory_space<hbm>>
      %dma_start3A_158 = arith.constant 0 : i32
      %dma_start3A_159 = tpu.memref_slice %arg4[%add3A_155, %dma_start3A_158] : memref<819200x128xf32, #tpu.memory_space<hbm>> -> memref<256x128xf32, #tpu.memory_space<hbm>>
      tpu.enqueue_dma source(%arg6 : memref<256x128xf32, #tpu.memory_space<vmem>>) target(%dma_start3A_159 : memref<256x128xf32, #tpu.memory_space<hbm>>) target_semaphore(%arg12 : memref<!tpu.dma_semaphore, #tpu.memory_space<semaphore_mem>>)
      %add3A_160 = arith.constant 1 : i32
      %add3A_161 = arith.addi %mul3A_130, %add3A_160 : i32
      %dma_wait3A_162 = arith.constant 0 : i32
      %dma_wait3A_163 = arith.constant 0 : i32
      %dma_wait3A_164 = arith.constant 0 : i32
      %dma_wait3A_165 = tpu.memref_slice %arg7[%dma_wait3A_163, %dma_wait3A_164] : memref<256x128xf32, #tpu.memory_space<vmem>> -> memref<128x128xf32, #tpu.memory_space<vmem>>
      %dma_wait3A_166 = arith.constant 0 : i32
      %dma_wait3A_167 = tpu.memref_slice %arg5[%dma_wait3A_162, %dma_wait3A_166] : memref<200x128xi32, #tpu.memory_space<vmem>> -> memref<1x128xi32, #tpu.memory_space<vmem>>
      %dma_wait3A_168 = tpu.memref_squeeze %dma_wait3A_167 : memref<1x128xi32, #tpu.memory_space<vmem>> -> memref<128xi32, #tpu.memory_space<vmem>>
      %dma_wait3A_169 = arith.constant 0 : i32
      %dma_wait3A_170 = arith.constant 0 : i32
      %dma_wait3A_171 = tpu.memref_slice %arg2[%dma_wait3A_169, %dma_wait3A_170] : memref<100000x128xf32, #tpu.memory_space<hbm>> -> memref<100000x128xf32, #tpu.memory_space<hbm>>
      tpu.wait_indirect_dma semaphore(%arg10 : memref<!tpu.dma_semaphore, #tpu.memory_space<semaphore_mem>>) src(%dma_wait3A_171 : memref<100000x128xf32, #tpu.memory_space<hbm>>) dst(%dma_wait3A_165 : memref<128x128xf32, #tpu.memory_space<vmem>>)
      %dma_wait3A_172 = arith.constant 0 : i32
      %dma_wait3A_173 = arith.constant 128 : i32
      %dma_wait3A_174 = arith.constant 0 : i32
      %dma_wait3A_175 = tpu.memref_slice %arg7[%dma_wait3A_173, %dma_wait3A_174] : memref<256x128xf32, #tpu.memory_space<vmem>> -> memref<128x128xf32, #tpu.memory_space<vmem>>
      %dma_wait3A_176 = arith.constant 0 : i32
      %dma_wait3A_177 = tpu.memref_slice %arg5[%dma_wait3A_172, %dma_wait3A_176] : memref<200x128xi32, #tpu.memory_space<vmem>> -> memref<1x128xi32, #tpu.memory_space<vmem>>
      %dma_wait3A_178 = tpu.memref_squeeze %dma_wait3A_177 : memref<1x128xi32, #tpu.memory_space<vmem>> -> memref<128xi32, #tpu.memory_space<vmem>>
      %dma_wait3A_179 = arith.constant 0 : i32
      %dma_wait3A_180 = arith.constant 0 : i32
      %dma_wait3A_181 = tpu.memref_slice %arg2[%dma_wait3A_179, %dma_wait3A_180] : memref<100000x128xf32, #tpu.memory_space<hbm>> -> memref<100000x128xf32, #tpu.memory_space<hbm>>
      tpu.wait_indirect_dma semaphore(%arg10 : memref<!tpu.dma_semaphore, #tpu.memory_space<semaphore_mem>>) src(%dma_wait3A_181 : memref<100000x128xf32, #tpu.memory_space<hbm>>) dst(%dma_wait3A_175 : memref<128x128xf32, #tpu.memory_space<vmem>>)
      %mul3A_182 = arith.constant 256 : i32
      %mul3A_183 = arith.muli %add3A_161, %mul3A_182 : i32
      %add3A_184 = arith.addi %mul3A_2, %mul3A_183 : i32
      %dma_start3A_185 = arith.constant 0 : i32
      %dma_start3A_186 = tpu.memref_slice %arg4[%add3A_184, %dma_start3A_185] : memref<819200x128xf32, #tpu.memory_space<hbm>> -> memref<256x128xf32, #tpu.memory_space<hbm>>
      %dma_start3A_187 = arith.constant 0 : i32
      %dma_start3A_188 = tpu.memref_slice %arg4[%add3A_184, %dma_start3A_187] : memref<819200x128xf32, #tpu.memory_space<hbm>> -> memref<256x128xf32, #tpu.memory_space<hbm>>
      tpu.enqueue_dma source(%arg7 : memref<256x128xf32, #tpu.memory_space<vmem>>) target(%dma_start3A_188 : memref<256x128xf32, #tpu.memory_space<hbm>>) target_semaphore(%arg13 : memref<!tpu.dma_semaphore, #tpu.memory_space<semaphore_mem>>)
      %add3A_189 = arith.constant 2 : i32
      %add3A_190 = arith.addi %mul3A_130, %add3A_189 : i32
      %dma_wait3A_191 = arith.constant 0 : i32
      %dma_wait3A_192 = arith.constant 0 : i32
      %dma_wait3A_193 = arith.constant 0 : i32
      %dma_wait3A_194 = tpu.memref_slice %arg8[%dma_wait3A_192, %dma_wait3A_193] : memref<256x128xf32, #tpu.memory_space<vmem>> -> memref<128x128xf32, #tpu.memory_space<vmem>>
      %dma_wait3A_195 = arith.constant 0 : i32
      %dma_wait3A_196 = tpu.memref_slice %arg5[%dma_wait3A_191, %dma_wait3A_195] : memref<200x128xi32, #tpu.memory_space<vmem>> -> memref<1x128xi32, #tpu.memory_space<vmem>>
      %dma_wait3A_197 = tpu.memref_squeeze %dma_wait3A_196 : memref<1x128xi32, #tpu.memory_space<vmem>> -> memref<128xi32, #tpu.memory_space<vmem>>
      %dma_wait3A_198 = arith.constant 0 : i32
      %dma_wait3A_199 = arith.constant 0 : i32
      %dma_wait3A_200 = tpu.memref_slice %arg2[%dma_wait3A_198, %dma_wait3A_199] : memref<100000x128xf32, #tpu.memory_space<hbm>> -> memref<100000x128xf32, #tpu.memory_space<hbm>>
      tpu.wait_indirect_dma semaphore(%arg11 : memref<!tpu.dma_semaphore, #tpu.memory_space<semaphore_mem>>) src(%dma_wait3A_200 : memref<100000x128xf32, #tpu.memory_space<hbm>>) dst(%dma_wait3A_194 : memref<128x128xf32, #tpu.memory_space<vmem>>)
      %dma_wait3A_201 = arith.constant 0 : i32
      %dma_wait3A_202 = arith.constant 128 : i32
      %dma_wait3A_203 = arith.constant 0 : i32
      %dma_wait3A_204 = tpu.memref_slice %arg8[%dma_wait3A_202, %dma_wait3A_203] : memref<256x128xf32, #tpu.memory_space<vmem>> -> memref<128x128xf32, #tpu.memory_space<vmem>>
      %dma_wait3A_205 = arith.constant 0 : i32
      %dma_wait3A_206 = tpu.memref_slice %arg5[%dma_wait3A_201, %dma_wait3A_205] : memref<200x128xi32, #tpu.memory_space<vmem>> -> memref<1x128xi32, #tpu.memory_space<vmem>>
      %dma_wait3A_207 = tpu.memref_squeeze %dma_wait3A_206 : memref<1x128xi32, #tpu.memory_space<vmem>> -> memref<128xi32, #tpu.memory_space<vmem>>
      %dma_wait3A_208 = arith.constant 0 : i32
      %dma_wait3A_209 = arith.constant 0 : i32
      %dma_wait3A_210 = tpu.memref_slice %arg2[%dma_wait3A_208, %dma_wait3A_209] : memref<100000x128xf32, #tpu.memory_space<hbm>> -> memref<100000x128xf32, #tpu.memory_space<hbm>>
      tpu.wait_indirect_dma semaphore(%arg11 : memref<!tpu.dma_semaphore, #tpu.memory_space<semaphore_mem>>) src(%dma_wait3A_210 : memref<100000x128xf32, #tpu.memory_space<hbm>>) dst(%dma_wait3A_204 : memref<128x128xf32, #tpu.memory_space<vmem>>)
      %mul3A_211 = arith.constant 256 : i32
      %mul3A_212 = arith.muli %add3A_190, %mul3A_211 : i32
      %add3A_213 = arith.addi %mul3A_2, %mul3A_212 : i32
      %dma_start3A_214 = arith.constant 0 : i32
      %dma_start3A_215 = tpu.memref_slice %arg4[%add3A_213, %dma_start3A_214] : memref<819200x128xf32, #tpu.memory_space<hbm>> -> memref<256x128xf32, #tpu.memory_space<hbm>>
      %dma_start3A_216 = arith.constant 0 : i32
      %dma_start3A_217 = tpu.memref_slice %arg4[%add3A_213, %dma_start3A_216] : memref<819200x128xf32, #tpu.memory_space<hbm>> -> memref<256x128xf32, #tpu.memory_space<hbm>>
      tpu.enqueue_dma source(%arg8 : memref<256x128xf32, #tpu.memory_space<vmem>>) target(%dma_start3A_217 : memref<256x128xf32, #tpu.memory_space<hbm>>) target_semaphore(%arg14 : memref<!tpu.dma_semaphore, #tpu.memory_space<semaphore_mem>>)
      %add3A_218 = arith.constant 0 : i32
      %add3A_219 = arith.addi %mul3A_130, %add3A_218 : i32
      %add3A_220 = arith.constant 3 : i32
      %add3A_221 = arith.addi %add3A_219, %add3A_220 : i32
      %min3A = arith.constant 99 : i32
      %min3A_222 = arith.minsi %add3A_221, %min3A : i32
      %dma_wait3A_223 = arith.constant 0 : i32
      %dma_wait3A_224 = tpu.memref_slice %arg4[%mul3A_2, %dma_wait3A_223] : memref<819200x128xf32, #tpu.memory_space<hbm>> -> memref<256x128xf32, #tpu.memory_space<hbm>>
      %dma_wait3A_225 = arith.constant 0 : i32
      %dma_wait3A_226 = tpu.memref_slice %arg4[%mul3A_2, %dma_wait3A_225] : memref<819200x128xf32, #tpu.memory_space<hbm>> -> memref<256x128xf32, #tpu.memory_space<hbm>>
      tpu.wait_dma2 semaphore(%arg12 : memref<!tpu.dma_semaphore, #tpu.memory_space<semaphore_mem>>) src(%arg6 : memref<256x128xf32, #tpu.memory_space<vmem>>) dst(%dma_wait3A_226 : memref<256x128xf32, #tpu.memory_space<hbm>>)
      %mul3A_227 = arith.constant 2 : i32
      %mul3A_228 = arith.muli %min3A_222, %mul3A_227 : i32
      %add3A_229 = arith.constant 0 : i32
      %add3A_230 = arith.addi %mul3A_228, %add3A_229 : i32
      %dma_start3A_231 = arith.constant 0 : i32
      %dma_start3A_232 = arith.constant 0 : i32
      %dma_start3A_233 = tpu.memref_slice %arg6[%dma_start3A_231, %dma_start3A_232] : memref<256x128xf32, #tpu.memory_space<vmem>> -> memref<128x128xf32, #tpu.memory_space<vmem>>
      %dma_start3A_234 = arith.constant 0 : i32
      %dma_start3A_235 = tpu.memref_slice %arg5[%add3A_230, %dma_start3A_234] : memref<200x128xi32, #tpu.memory_space<vmem>> -> memref<1x128xi32, #tpu.memory_space<vmem>>
      %dma_start3A_236 = tpu.memref_squeeze %dma_start3A_235 : memref<1x128xi32, #tpu.memory_space<vmem>> -> memref<128xi32, #tpu.memory_space<vmem>>
      %dma_start3A_237 = arith.constant 0 : i32
      %dma_start3A_238 = arith.constant 0 : i32
      %dma_start3A_239 = tpu.memref_slice %arg2[%dma_start3A_237, %dma_start3A_238] : memref<100000x128xf32, #tpu.memory_space<hbm>> -> memref<100000x128xf32, #tpu.memory_space<hbm>>
      tpu.enqueue_indirect_dma source(%dma_start3A_239 : memref<100000x128xf32, #tpu.memory_space<hbm>>) target(%dma_start3A_233 : memref<128x128xf32, #tpu.memory_space<vmem>>) offsets(%dma_start3A_236 : memref<128xi32, #tpu.memory_space<vmem>>) semaphore(%arg9 : memref<!tpu.dma_semaphore, #tpu.memory_space<semaphore_mem>>)
      %mul3A_240 = arith.constant 2 : i32
      %mul3A_241 = arith.muli %min3A_222, %mul3A_240 : i32
      %add3A_242 = arith.constant 1 : i32
      %add3A_243 = arith.addi %mul3A_241, %add3A_242 : i32
      %dma_start3A_244 = arith.constant 128 : i32
      %dma_start3A_245 = arith.constant 0 : i32
      %dma_start3A_246 = tpu.memref_slice %arg6[%dma_start3A_244, %dma_start3A_245] : memref<256x128xf32, #tpu.memory_space<vmem>> -> memref<128x128xf32, #tpu.memory_space<vmem>>
      %dma_start3A_247 = arith.constant 0 : i32
      %dma_start3A_248 = tpu.memref_slice %arg5[%add3A_243, %dma_start3A_247] : memref<200x128xi32, #tpu.memory_space<vmem>> -> memref<1x128xi32, #tpu.memory_space<vmem>>
      %dma_start3A_249 = tpu.memref_squeeze %dma_start3A_248 : memref<1x128xi32, #tpu.memory_space<vmem>> -> memref<128xi32, #tpu.memory_space<vmem>>
      %dma_start3A_250 = arith.constant 0 : i32
      %dma_start3A_251 = arith.constant 0 : i32
      %dma_start3A_252 = tpu.memref_slice %arg2[%dma_start3A_250, %dma_start3A_251] : memref<100000x128xf32, #tpu.memory_space<hbm>> -> memref<100000x128xf32, #tpu.memory_space<hbm>>
      tpu.enqueue_indirect_dma source(%dma_start3A_252 : memref<100000x128xf32, #tpu.memory_space<hbm>>) target(%dma_start3A_246 : memref<128x128xf32, #tpu.memory_space<vmem>>) offsets(%dma_start3A_249 : memref<128xi32, #tpu.memory_space<vmem>>) semaphore(%arg9 : memref<!tpu.dma_semaphore, #tpu.memory_space<semaphore_mem>>)
      %add3A_253 = arith.constant 1 : i32
      %add3A_254 = arith.addi %mul3A_130, %add3A_253 : i32
      %add3A_255 = arith.constant 3 : i32
      %add3A_256 = arith.addi %add3A_254, %add3A_255 : i32
      %min3A_257 = arith.constant 99 : i32
      %min3A_258 = arith.minsi %add3A_256, %min3A_257 : i32
      %dma_wait3A_259 = arith.constant 0 : i32
      %dma_wait3A_260 = tpu.memref_slice %arg4[%mul3A_2, %dma_wait3A_259] : memref<819200x128xf32, #tpu.memory_space<hbm>> -> memref<256x128xf32, #tpu.memory_space<hbm>>
      %dma_wait3A_261 = arith.constant 0 : i32
      %dma_wait3A_262 = tpu.memref_slice %arg4[%mul3A_2, %dma_wait3A_261] : memref<819200x128xf32, #tpu.memory_space<hbm>> -> memref<256x128xf32, #tpu.memory_space<hbm>>
      tpu.wait_dma2 semaphore(%arg13 : memref<!tpu.dma_semaphore, #tpu.memory_space<semaphore_mem>>) src(%arg7 : memref<256x128xf32, #tpu.memory_space<vmem>>) dst(%dma_wait3A_262 : memref<256x128xf32, #tpu.memory_space<hbm>>)
      %mul3A_263 = arith.constant 2 : i32
      %mul3A_264 = arith.muli %min3A_258, %mul3A_263 : i32
      %add3A_265 = arith.constant 0 : i32
      %add3A_266 = arith.addi %mul3A_264, %add3A_265 : i32
      %dma_start3A_267 = arith.constant 0 : i32
      %dma_start3A_268 = arith.constant 0 : i32
      %dma_start3A_269 = tpu.memref_slice %arg7[%dma_start3A_267, %dma_start3A_268] : memref<256x128xf32, #tpu.memory_space<vmem>> -> memref<128x128xf32, #tpu.memory_space<vmem>>
      %dma_start3A_270 = arith.constant 0 : i32
      %dma_start3A_271 = tpu.memref_slice %arg5[%add3A_266, %dma_start3A_270] : memref<200x128xi32, #tpu.memory_space<vmem>> -> memref<1x128xi32, #tpu.memory_space<vmem>>
      %dma_start3A_272 = tpu.memref_squeeze %dma_start3A_271 : memref<1x128xi32, #tpu.memory_space<vmem>> -> memref<128xi32, #tpu.memory_space<vmem>>
      %dma_start3A_273 = arith.constant 0 : i32
      %dma_start3A_274 = arith.constant 0 : i32
      %dma_start3A_275 = tpu.memref_slice %arg2[%dma_start3A_273, %dma_start3A_274] : memref<100000x128xf32, #tpu.memory_space<hbm>> -> memref<100000x128xf32, #tpu.memory_space<hbm>>
      tpu.enqueue_indirect_dma source(%dma_start3A_275 : memref<100000x128xf32, #tpu.memory_space<hbm>>) target(%dma_start3A_269 : memref<128x128xf32, #tpu.memory_space<vmem>>) offsets(%dma_start3A_272 : memref<128xi32, #tpu.memory_space<vmem>>) semaphore(%arg10 : memref<!tpu.dma_semaphore, #tpu.memory_space<semaphore_mem>>)
      %mul3A_276 = arith.constant 2 : i32
      %mul3A_277 = arith.muli %min3A_258, %mul3A_276 : i32
      %add3A_278 = arith.constant 1 : i32
      %add3A_279 = arith.addi %mul3A_277, %add3A_278 : i32
      %dma_start3A_280 = arith.constant 128 : i32
      %dma_start3A_281 = arith.constant 0 : i32
      %dma_start3A_282 = tpu.memref_slice %arg7[%dma_start3A_280, %dma_start3A_281] : memref<256x128xf32, #tpu.memory_space<vmem>> -> memref<128x128xf32, #tpu.memory_space<vmem>>
      %dma_start3A_283 = arith.constant 0 : i32
      %dma_start3A_284 = tpu.memref_slice %arg5[%add3A_279, %dma_start3A_283] : memref<200x128xi32, #tpu.memory_space<vmem>> -> memref<1x128xi32, #tpu.memory_space<vmem>>
      %dma_start3A_285 = tpu.memref_squeeze %dma_start3A_284 : memref<1x128xi32, #tpu.memory_space<vmem>> -> memref<128xi32, #tpu.memory_space<vmem>>
      %dma_start3A_286 = arith.constant 0 : i32
      %dma_start3A_287 = arith.constant 0 : i32
      %dma_start3A_288 = tpu.memref_slice %arg2[%dma_start3A_286, %dma_start3A_287] : memref<100000x128xf32, #tpu.memory_space<hbm>> -> memref<100000x128xf32, #tpu.memory_space<hbm>>
      tpu.enqueue_indirect_dma source(%dma_start3A_288 : memref<100000x128xf32, #tpu.memory_space<hbm>>) target(%dma_start3A_282 : memref<128x128xf32, #tpu.memory_space<vmem>>) offsets(%dma_start3A_285 : memref<128xi32, #tpu.memory_space<vmem>>) semaphore(%arg10 : memref<!tpu.dma_semaphore, #tpu.memory_space<semaphore_mem>>)
      %add3A_289 = arith.constant 2 : i32
      %add3A_290 = arith.addi %mul3A_130, %add3A_289 : i32
      %add3A_291 = arith.constant 3 : i32
      %add3A_292 = arith.addi %add3A_290, %add3A_291 : i32
      %min3A_293 = arith.constant 99 : i32
      %min3A_294 = arith.minsi %add3A_292, %min3A_293 : i32
      %dma_wait3A_295 = arith.constant 0 : i32
      %dma_wait3A_296 = tpu.memref_slice %arg4[%mul3A_2, %dma_wait3A_295] : memref<819200x128xf32, #tpu.memory_space<hbm>> -> memref<256x128xf32, #tpu.memory_space<hbm>>
      %dma_wait3A_297 = arith.constant 0 : i32
      %dma_wait3A_298 = tpu.memref_slice %arg4[%mul3A_2, %dma_wait3A_297] : memref<819200x128xf32, #tpu.memory_space<hbm>> -> memref<256x128xf32, #tpu.memory_space<hbm>>
      tpu.wait_dma2 semaphore(%arg14 : memref<!tpu.dma_semaphore, #tpu.memory_space<semaphore_mem>>) src(%arg8 : memref<256x128xf32, #tpu.memory_space<vmem>>) dst(%dma_wait3A_298 : memref<256x128xf32, #tpu.memory_space<hbm>>)
      %mul3A_299 = arith.constant 2 : i32
      %mul3A_300 = arith.muli %min3A_294, %mul3A_299 : i32
      %add3A_301 = arith.constant 0 : i32
      %add3A_302 = arith.addi %mul3A_300, %add3A_301 : i32
      %dma_start3A_303 = arith.constant 0 : i32
      %dma_start3A_304 = arith.constant 0 : i32
      %dma_start3A_305 = tpu.memref_slice %arg8[%dma_start3A_303, %dma_start3A_304] : memref<256x128xf32, #tpu.memory_space<vmem>> -> memref<128x128xf32, #tpu.memory_space<vmem>>
      %dma_start3A_306 = arith.constant 0 : i32
      %dma_start3A_307 = tpu.memref_slice %arg5[%add3A_302, %dma_start3A_306] : memref<200x128xi32, #tpu.memory_space<vmem>> -> memref<1x128xi32, #tpu.memory_space<vmem>>
      %dma_start3A_308 = tpu.memref_squeeze %dma_start3A_307 : memref<1x128xi32, #tpu.memory_space<vmem>> -> memref<128xi32, #tpu.memory_space<vmem>>
      %dma_start3A_309 = arith.constant 0 : i32
      %dma_start3A_310 = arith.constant 0 : i32
      %dma_start3A_311 = tpu.memref_slice %arg2[%dma_start3A_309, %dma_start3A_310] : memref<100000x128xf32, #tpu.memory_space<hbm>> -> memref<100000x128xf32, #tpu.memory_space<hbm>>
      tpu.enqueue_indirect_dma source(%dma_start3A_311 : memref<100000x128xf32, #tpu.memory_space<hbm>>) target(%dma_start3A_305 : memref<128x128xf32, #tpu.memory_space<vmem>>) offsets(%dma_start3A_308 : memref<128xi32, #tpu.memory_space<vmem>>) semaphore(%arg11 : memref<!tpu.dma_semaphore, #tpu.memory_space<semaphore_mem>>)
      %mul3A_312 = arith.constant 2 : i32
      %mul3A_313 = arith.muli %min3A_294, %mul3A_312 : i32
      %add3A_314 = arith.constant 1 : i32
      %add3A_315 = arith.addi %mul3A_313, %add3A_314 : i32
      %dma_start3A_316 = arith.constant 128 : i32
      %dma_start3A_317 = arith.constant 0 : i32
      %dma_start3A_318 = tpu.memref_slice %arg8[%dma_start3A_316, %dma_start3A_317] : memref<256x128xf32, #tpu.memory_space<vmem>> -> memref<128x128xf32, #tpu.memory_space<vmem>>
      %dma_start3A_319 = arith.constant 0 : i32
      %dma_start3A_320 = tpu.memref_slice %arg5[%add3A_315, %dma_start3A_319] : memref<200x128xi32, #tpu.memory_space<vmem>> -> memref<1x128xi32, #tpu.memory_space<vmem>>
      %dma_start3A_321 = tpu.memref_squeeze %dma_start3A_320 : memref<1x128xi32, #tpu.memory_space<vmem>> -> memref<128xi32, #tpu.memory_space<vmem>>
      %dma_start3A_322 = arith.constant 0 : i32
      %dma_start3A_323 = arith.constant 0 : i32
      %dma_start3A_324 = tpu.memref_slice %arg2[%dma_start3A_322, %dma_start3A_323] : memref<100000x128xf32, #tpu.memory_space<hbm>> -> memref<100000x128xf32, #tpu.memory_space<hbm>>
      tpu.enqueue_indirect_dma source(%dma_start3A_324 : memref<100000x128xf32, #tpu.memory_space<hbm>>) target(%dma_start3A_318 : memref<128x128xf32, #tpu.memory_space<vmem>>) offsets(%dma_start3A_321 : memref<128xi32, #tpu.memory_space<vmem>>) semaphore(%arg11 : memref<!tpu.dma_semaphore, #tpu.memory_space<semaphore_mem>>)
    }
    %scan3A_66 = arith.constant 33 : i32
    %dma_wait3A = arith.constant 0 : i32
    %dma_wait3A_67 = arith.constant 0 : i32
    %dma_wait3A_68 = arith.constant 0 : i32
    %dma_wait3A_69 = tpu.memref_slice %arg6[%dma_wait3A_67, %dma_wait3A_68] : memref<256x128xf32, #tpu.memory_space<vmem>> -> memref<128x128xf32, #tpu.memory_space<vmem>>
    %dma_wait3A_70 = arith.constant 0 : i32
    %dma_wait3A_71 = tpu.memref_slice %arg5[%dma_wait3A, %dma_wait3A_70] : memref<200x128xi32, #tpu.memory_space<vmem>> -> memref<1x128xi32, #tpu.memory_space<vmem>>
    %dma_wait3A_72 = tpu.memref_squeeze %dma_wait3A_71 : memref<1x128xi32, #tpu.memory_space<vmem>> -> memref<128xi32, #tpu.memory_space<vmem>>
    %dma_wait3A_73 = arith.constant 0 : i32
    %dma_wait3A_74 = arith.constant 0 : i32
    %dma_wait3A_75 = tpu.memref_slice %arg2[%dma_wait3A_73, %dma_wait3A_74] : memref<100000x128xf32, #tpu.memory_space<hbm>> -> memref<100000x128xf32, #tpu.memory_space<hbm>>
    tpu.wait_indirect_dma semaphore(%arg9 : memref<!tpu.dma_semaphore, #tpu.memory_space<semaphore_mem>>) src(%dma_wait3A_75 : memref<100000x128xf32, #tpu.memory_space<hbm>>) dst(%dma_wait3A_69 : memref<128x128xf32, #tpu.memory_space<vmem>>)
    %dma_wait3A_76 = arith.constant 0 : i32
    %dma_wait3A_77 = arith.constant 128 : i32
    %dma_wait3A_78 = arith.constant 0 : i32
    %dma_wait3A_79 = tpu.memref_slice %arg6[%dma_wait3A_77, %dma_wait3A_78] : memref<256x128xf32, #tpu.memory_space<vmem>> -> memref<128x128xf32, #tpu.memory_space<vmem>>
    %dma_wait3A_80 = arith.constant 0 : i32
    %dma_wait3A_81 = tpu.memref_slice %arg5[%dma_wait3A_76, %dma_wait3A_80] : memref<200x128xi32, #tpu.memory_space<vmem>> -> memref<1x128xi32, #tpu.memory_space<vmem>>
    %dma_wait3A_82 = tpu.memref_squeeze %dma_wait3A_81 : memref<1x128xi32, #tpu.memory_space<vmem>> -> memref<128xi32, #tpu.memory_space<vmem>>
    %dma_wait3A_83 = arith.constant 0 : i32
    %dma_wait3A_84 = arith.constant 0 : i32
    %dma_wait3A_85 = tpu.memref_slice %arg2[%dma_wait3A_83, %dma_wait3A_84] : memref<100000x128xf32, #tpu.memory_space<hbm>> -> memref<100000x128xf32, #tpu.memory_space<hbm>>
    tpu.wait_indirect_dma semaphore(%arg9 : memref<!tpu.dma_semaphore, #tpu.memory_space<semaphore_mem>>) src(%dma_wait3A_85 : memref<100000x128xf32, #tpu.memory_space<hbm>>) dst(%dma_wait3A_79 : memref<128x128xf32, #tpu.memory_space<vmem>>)
    %add3A_86 = arith.constant 25344 : i32
    %add3A_87 = arith.addi %mul3A_2, %add3A_86 : i32
    "tpu.region"() ({
      %run_scoped3A = tpu.sem_alloc : memref<!tpu.dma_semaphore, #tpu.memory_space<semaphore_mem>>
      %dma_start3A_128 = arith.constant 0 : i32
      %dma_start3A_129 = tpu.memref_slice %arg4[%add3A_87, %dma_start3A_128] : memref<819200x128xf32, #tpu.memory_space<hbm>> -> memref<256x128xf32, #tpu.memory_space<hbm>>
      %dma_start3A_130 = arith.constant 0 : i32
      %dma_start3A_131 = tpu.memref_slice %arg4[%add3A_87, %dma_start3A_130] : memref<819200x128xf32, #tpu.memory_space<hbm>> -> memref<256x128xf32, #tpu.memory_space<hbm>>
      tpu.enqueue_dma source(%arg6 : memref<256x128xf32, #tpu.memory_space<vmem>>) target(%dma_start3A_131 : memref<256x128xf32, #tpu.memory_space<hbm>>) target_semaphore(%run_scoped3A : memref<!tpu.dma_semaphore, #tpu.memory_space<semaphore_mem>>)
      %dma_wait3A_132 = arith.constant 0 : i32
      %dma_wait3A_133 = tpu.memref_slice %arg4[%add3A_87, %dma_wait3A_132] : memref<819200x128xf32, #tpu.memory_space<hbm>> -> memref<256x128xf32, #tpu.memory_space<hbm>>
      %dma_wait3A_134 = arith.constant 0 : i32
      %dma_wait3A_135 = tpu.memref_slice %arg4[%add3A_87, %dma_wait3A_134] : memref<819200x128xf32, #tpu.memory_space<hbm>> -> memref<256x128xf32, #tpu.memory_space<hbm>>
      tpu.wait_dma2 semaphore(%run_scoped3A : memref<!tpu.dma_semaphore, #tpu.memory_space<semaphore_mem>>) src(%arg6 : memref<256x128xf32, #tpu.memory_space<vmem>>) dst(%dma_wait3A_135 : memref<256x128xf32, #tpu.memory_space<hbm>>)
      tpu.yield
    }) : () -> ()
    %dma_wait3A_88 = arith.constant 0 : i32
    %dma_wait3A_89 = arith.constant 0 : i32
    %dma_wait3A_90 = arith.constant 0 : i32
    %dma_wait3A_91 = tpu.memref_slice %arg7[%dma_wait3A_89, %dma_wait3A_90] : memref<256x128xf32, #tpu.memory_space<vmem>> -> memref<128x128xf32, #tpu.memory_space<vmem>>
    %dma_wait3A_92 = arith.constant 0 : i32
    %dma_wait3A_93 = tpu.memref_slice %arg5[%dma_wait3A_88, %dma_wait3A_92] : memref<200x128xi32, #tpu.memory_space<vmem>> -> memref<1x128xi32, #tpu.memory_space<vmem>>
    %dma_wait3A_94 = tpu.memref_squeeze %dma_wait3A_93 : memref<1x128xi32, #tpu.memory_space<vmem>> -> memref<128xi32, #tpu.memory_space<vmem>>
    %dma_wait3A_95 = arith.constant 0 : i32
    %dma_wait3A_96 = arith.constant 0 : i32
    %dma_wait3A_97 = tpu.memref_slice %arg2[%dma_wait3A_95, %dma_wait3A_96] : memref<100000x128xf32, #tpu.memory_space<hbm>> -> memref<100000x128xf32, #tpu.memory_space<hbm>>
    tpu.wait_indirect_dma semaphore(%arg10 : memref<!tpu.dma_semaphore, #tpu.memory_space<semaphore_mem>>) src(%dma_wait3A_97 : memref<100000x128xf32, #tpu.memory_space<hbm>>) dst(%dma_wait3A_91 : memref<128x128xf32, #tpu.memory_space<vmem>>)
    %dma_wait3A_98 = arith.constant 0 : i32
    %dma_wait3A_99 = arith.constant 128 : i32
    %dma_wait3A_100 = arith.constant 0 : i32
    %dma_wait3A_101 = tpu.memref_slice %arg7[%dma_wait3A_99, %dma_wait3A_100] : memref<256x128xf32, #tpu.memory_space<vmem>> -> memref<128x128xf32, #tpu.memory_space<vmem>>
    %dma_wait3A_102 = arith.constant 0 : i32
    %dma_wait3A_103 = tpu.memref_slice %arg5[%dma_wait3A_98, %dma_wait3A_102] : memref<200x128xi32, #tpu.memory_space<vmem>> -> memref<1x128xi32, #tpu.memory_space<vmem>>
    %dma_wait3A_104 = tpu.memref_squeeze %dma_wait3A_103 : memref<1x128xi32, #tpu.memory_space<vmem>> -> memref<128xi32, #tpu.memory_space<vmem>>
    %dma_wait3A_105 = arith.constant 0 : i32
    %dma_wait3A_106 = arith.constant 0 : i32
    %dma_wait3A_107 = tpu.memref_slice %arg2[%dma_wait3A_105, %dma_wait3A_106] : memref<100000x128xf32, #tpu.memory_space<hbm>> -> memref<100000x128xf32, #tpu.memory_space<hbm>>
    tpu.wait_indirect_dma semaphore(%arg10 : memref<!tpu.dma_semaphore, #tpu.memory_space<semaphore_mem>>) src(%dma_wait3A_107 : memref<100000x128xf32, #tpu.memory_space<hbm>>) dst(%dma_wait3A_101 : memref<128x128xf32, #tpu.memory_space<vmem>>)
    %dma_wait3A_108 = arith.constant 0 : i32
    %dma_wait3A_109 = arith.constant 0 : i32
    %dma_wait3A_110 = arith.constant 0 : i32
    %dma_wait3A_111 = tpu.memref_slice %arg8[%dma_wait3A_109, %dma_wait3A_110] : memref<256x128xf32, #tpu.memory_space<vmem>> -> memref<128x128xf32, #tpu.memory_space<vmem>>
    %dma_wait3A_112 = arith.constant 0 : i32
    %dma_wait3A_113 = tpu.memref_slice %arg5[%dma_wait3A_108, %dma_wait3A_112] : memref<200x128xi32, #tpu.memory_space<vmem>> -> memref<1x128xi32, #tpu.memory_space<vmem>>
    %dma_wait3A_114 = tpu.memref_squeeze %dma_wait3A_113 : memref<1x128xi32, #tpu.memory_space<vmem>> -> memref<128xi32, #tpu.memory_space<vmem>>
    %dma_wait3A_115 = arith.constant 0 : i32
    %dma_wait3A_116 = arith.constant 0 : i32
    %dma_wait3A_117 = tpu.memref_slice %arg2[%dma_wait3A_115, %dma_wait3A_116] : memref<100000x128xf32, #tpu.memory_space<hbm>> -> memref<100000x128xf32, #tpu.memory_space<hbm>>
    tpu.wait_indirect_dma semaphore(%arg11 : memref<!tpu.dma_semaphore, #tpu.memory_space<semaphore_mem>>) src(%dma_wait3A_117 : memref<100000x128xf32, #tpu.memory_space<hbm>>) dst(%dma_wait3A_111 : memref<128x128xf32, #tpu.memory_space<vmem>>)
    %dma_wait3A_118 = arith.constant 0 : i32
    %dma_wait3A_119 = arith.constant 128 : i32
    %dma_wait3A_120 = arith.constant 0 : i32
    %dma_wait3A_121 = tpu.memref_slice %arg8[%dma_wait3A_119, %dma_wait3A_120] : memref<256x128xf32, #tpu.memory_space<vmem>> -> memref<128x128xf32, #tpu.memory_space<vmem>>
    %dma_wait3A_122 = arith.constant 0 : i32
    %dma_wait3A_123 = tpu.memref_slice %arg5[%dma_wait3A_118, %dma_wait3A_122] : memref<200x128xi32, #tpu.memory_space<vmem>> -> memref<1x128xi32, #tpu.memory_space<vmem>>
    %dma_wait3A_124 = tpu.memref_squeeze %dma_wait3A_123 : memref<1x128xi32, #tpu.memory_space<vmem>> -> memref<128xi32, #tpu.memory_space<vmem>>
    %dma_wait3A_125 = arith.constant 0 : i32
    %dma_wait3A_126 = arith.constant 0 : i32
    %dma_wait3A_127 = tpu.memref_slice %arg2[%dma_wait3A_125, %dma_wait3A_126] : memref<100000x128xf32, #tpu.memory_space<hbm>> -> memref<100000x128xf32, #tpu.memory_space<hbm>>
    tpu.wait_indirect_dma semaphore(%arg11 : memref<!tpu.dma_semaphore, #tpu.memory_space<semaphore_mem>>) src(%dma_wait3A_127 : memref<100000x128xf32, #tpu.memory_space<hbm>>) dst(%dma_wait3A_121 : memref<128x128xf32, #tpu.memory_space<vmem>>)
    return
  }
}

</mosaic_0001>

<sc_bundles>
// kernel: kernel.3.cloned.1.call-start
scs
__scs_entry_jumppad:
0x0: {  	(pc) =	sbr.rel $0x88, $3  }
0x1: {  	(tag) =	ssettag $0x0;
	lr =	simm.s32 $0x1  }
0x2: {  	[smem:$0x3F9F] =	sst lr;
	_ =	strace $0xD0000000  }
0x3: {  	_ = 	snop  }
0x4: {  	_ = 	snop  }
0x5: {  	_ = 	snop  }
0x6: {  	_ = 	snop  }
0x7: {  	_ = 	snop  }
__scs_overlays_trampoline_lowered:
0x8: {  	[smem:$0x3FAE] =	sst s0  }
0x9: {  	[smem:$0x3FAF] =	sst s1  }
0xa: {  	[smem:$0x3FB0] =	sst s2  }
0xb: {  	[smem:$0x3FB1] =	sst s3  }
0xc: {  	[smem:$0x3FB2] =	sst s4  }
0xd: {  	[smem:$0x3FB3] =	sst s5  }
0xe: {  	[smem:$0x3FB4] =	sst s6  }
0xf: {  	[smem:$0x3FB5] =	sst s7  }
0x10: {  	[smem:$0x3FB6] =	sst s8  }
0x11: {  	[smem:$0x3FB7] =	sst s9;
	s0 =	simm.s32 @!p0 $0x0  }
0x12: {  	s1 =	sld [smem:$0x3F9D];
	s0 =	simm.s32 @p0 $0x1  }
0x13: {  	[smem:$0x3FB8] =	sst s0;
	s0 =	simm.s32 @!p1 $0x0  }
0x14: {  	s2 =	sld [smem:$0x3F9C];
	s0 =	simm.s32 @p1 $0x1  }
0x15: {  	[smem:$0x3FB9] =	sst s0;
	s0 =	simm.s32 @!p2 $0x0  }
0x16: {  	s3 =	sld [smem:$0x3FDB];
	s0 =	simm.s32 @p2 $0x1  }
0x17: {  	s4 =	simm.s32 $0x1BF5;
	[smem:$0x3FBB] =	sst s0  }
0x18: {  	s0 =	sld [smem:$0x3F9E];
	_ =	swait.ge [sflag:s4], $0x0  }
0x19: {  	s7 =	sld [smem:$0x3F9F]  }
0x1a: {  	s8 =	sadd.s32 $0xFFFFE003, lr  }
0x1b: {  	s9 =	sadd.s32 $0xFFFFFEF7, lr;
	s5 =	simm.s32 $0xFFFFFFFF;
	p2 =	slt.u32 s8, $0xFFFFF086  }
0x1c: {  	p1 =	slt.u32 s9, $0xF7A;
	s5 =	simm.s32 @!p2 $0x0  }
0x1d: {  	s5 =	simm.s32 @p1 $0x1;
	p0 =	seq.s32 s7, s2  }
0x1e: {  	s7 =	smul.u32 @!p0 $0xF7A, s2;
	p2 =	seq.s32 @!p0 s5, $0x0  }
0x1f: {  	s9 =	smul.u32 $0xF7A, s1;
	s8 =	simm.s32 @!p0 $0x1BF5;
	p2 =	por !p2, p0  }
0x20: {  	[sflag:s8] =	ssyncset.s32 @!p0 $0xFFFFF086;
	s6 =	sadd.s32 @!p0 s3, s7;
	s7 =	simm.s32 @!p0 $0x108  }
0x21: {  	s3 =	sadd.s32 s3, s9;
	s6 =	sadd.s32 @!p0 $0x88, s6;
	s7 =	simm.s32 @p2 $0x1082  }
0x22: {  	[simem:s7], [sflag:s8] =	dma.local @!p0 [hbm:s6], $0xF7A  }
0x23: {  	s9 =	sor.u32 $0xD0000000, s2;
	s6 =	simm.s32 $0x108;
	_ =	swait.ge @!p0 [sflag:s8], $0x0  }
0x24: {  	s3 =	sadd.s32 $0x88, s3;
	s6 =	simm.s32 @!p1 $0x1082;
	[sflag:s4] =	ssyncset.s32 $0xFFFFF086  }
0x25: {  	[simem:s6], [sflag:s4] =	dma.local [hbm:s3], $0xF7A  }
0x26: {  	[smem:$0x3F9F] =	sst s1;
	(tag) =	ssettag s2;
	_ =	strace s9  }
0x27: {  	s1 =	sld [smem:$0x3FAF]  }
0x28: {  	s2 =	sld [smem:$0x3FB0]  }
0x29: {  	s4 =	sld [smem:$0x3FB2]  }
0x2a: {  	p0 =	seq.s32 s5, $0x0;
	s5 =	sld [smem:$0x3FB3]  }
0x2b: {  	s6 =	sld [smem:$0x3FB4]  }
0x2c: {  	s7 =	sld [smem:$0x3FB5]  }
0x2d: {  	s3 =	simm.s32 $0x108;
	s8 =	sld [smem:$0x3FB6]  }
0x2e: {  	s3 =	simm.s32 @!p0 $0x1082;
	s9 =	sld [smem:$0x3FB7]  }
0x2f: {  	lr =	sadd.s32 s0, s3;
	s0 =	sld [smem:$0x3FAE]  }
0x30: {  	s3 =	sld [smem:$0x3FB1]  }
0x31: {  	[smem:$0x3FBA] =	sst s10  }
0x32: {  	s10 =	sld [smem:$0x3FB8];
	_ =	sdelay $0x3  }
0x33: {  	p0 =	seq.s32 s10, $0x1;
	s10 =	sld [smem:$0x3FBA];
	_ =	sdelay $0x3  }
0x34: {  	[smem:$0x3FBA] =	sst s10  }
0x35: {  	s10 =	sld [smem:$0x3FB9];
	_ =	sdelay $0x3  }
0x36: {  	p1 =	seq.s32 s10, $0x1;
	s10 =	sld [smem:$0x3FBA];
	_ =	sdelay $0x3  }
0x37: {  	[smem:$0x3FBA] =	sst s10  }
0x38: {  	s10 =	sld [smem:$0x3FBB]  }
0x39: {  	_ = 	snop;
	(pc) =	sbr.ind lr, $3  }
0x3a: {  	_ = 	snop  }
0x3b: {  	_ = 	snop  }
0x3c: {  	p2 =	seq.s32 s10, $0x1;
	s10 =	sld [smem:$0x3FBA]  }
0x3d: {  	_ =	shalt  }
0x3e: {  	_ =	shalt  }
0x3f: {  	_ =	shalt  }
0x40: {  	_ =	shalt  }
0x41: {  	_ =	shalt  }
0x42: {  	_ =	shalt  }
0x43: {  	_ =	shalt  }
0x44: {  	_ =	shalt  }
0x45: {  	_ =	shalt  }
0x46: {  	_ =	shalt  }
0x47: {  	_ =	shalt  }
0x48: {  	_ =	shalt  }
0x49: {  	_ =	shalt  }
0x4a: {  	_ =	shalt  }
0x4b: {  	_ =	shalt  }
0x4c: {  	_ =	shalt  }
0x4d: {  	_ =	shalt  }
0x4e: {  	_ =	shalt  }
0x4f: {  	_ =	shalt  }
0x50: {  	_ =	shalt  }
0x51: {  	_ =	shalt  }
0x52: {  	_ =	shalt  }
0x53: {  	_ =	shalt  }
0x54: {  	_ =	shalt  }
0x55: {  	_ =	shalt  }
0x56: {  	_ =	shalt  }
0x57: {  	_ =	shalt  }
0x58: {  	_ =	shalt  }
0x59: {  	_ =	shalt  }
0x5a: {  	_ =	shalt  }
0x5b: {  	_ =	shalt  }
0x5c: {  	_ =	shalt  }
0x5d: {  	_ =	shalt  }
0x5e: {  	_ =	shalt  }
0x5f: {  	_ =	shalt  }
0x60: {  	_ =	shalt  }
0x61: {  	_ =	shalt  }
0x62: {  	_ =	shalt  }
0x63: {  	_ =	shalt  }
0x64: {  	_ =	shalt  }
0x65: {  	_ =	shalt  }
0x66: {  	_ =	shalt  }
0x67: {  	_ =	shalt  }
0x68: {  	_ =	shalt  }
0x69: {  	_ =	shalt  }
0x6a: {  	_ =	shalt  }
0x6b: {  	_ =	shalt  }
0x6c: {  	_ =	shalt  }
0x6d: {  	_ =	shalt  }
0x6e: {  	_ =	shalt  }
0x6f: {  	_ =	shalt  }
0x70: {  	_ =	shalt  }
0x71: {  	_ =	shalt  }
0x72: {  	_ =	shalt  }
0x73: {  	_ =	shalt  }
0x74: {  	_ =	shalt  }
0x75: {  	_ =	shalt  }
0x76: {  	_ =	shalt  }
0x77: {  	_ =	shalt  }
0x78: {  	_ =	shalt  }
0x79: {  	_ =	shalt  }
0x7a: {  	_ =	shalt  }
0x7b: {  	_ =	shalt  }
0x7c: {  	_ =	shalt  }
0x7d: {  	_ =	shalt  }
0x7e: {  	_ =	shalt  }
0x7f: {  	_ =	shalt  }
0x80: {  	_ =	shalt  }
0x81: {  	_ =	shalt  }
0x82: {  	_ =	shalt  }
0x83: {  	_ =	shalt  }
0x84: {  	_ =	shalt  }
0x85: {  	_ =	shalt  }
0x86: {  	_ =	shalt  }
0x87: {  	_ =	shalt  }
.Lfunc_end0:
.L_simem_size_0:
called_computation_lowered:
.L_overlay_start_0:
0x88: {  	s2 =	sld [smem:$0x3FD9]  }
0x89: {  	s3 =	sld [smem:$0x3FFE];
	_ =	sdelay $0x1  }
0x8a: {  	s1 =	srdreg.scid  }
0x8b: {  	s0 =	sand.u32 $0x1, s1  }
0x8c: {  	s17 =	sshll.u32 s0, $0xA;
	s2 =	sadd.s32 s3, s2  }
0x8d: {  	s2 =	sadd.s32 s2, s17  }
0x8e: {  	[smem:$0x3FC6] =	sst s2  }
0x8f: {  	_ = 	snop  }
0x90: {  	s2 =	sld [smem:$0x3FC8]  }
0x91: {  	s18 =	sld [smem:$0x3FD0];
	(tm) =	ssettm $0x1  }
0x92: {  	s4 =	sld [smem:$0x3FFB];
	_ =	sdelay $0x3  }
0x93: {  	_ =	strace s4  }
0x94: {  	s4 =	sld [smem:$0x3FFC];
	_ =	sdelay $0x3  }
0x95: {  	_ =	strace s4  }
0x96: {  	s4 =	sld [smem:$0x3FFD];
	_ =	sdelay $0x3  }
0x97: {  	_ =	strace s4  }
0x98: {  	_ =	strace $0x8FFFFFFF  }
0x99: {  	s19 =	sld [smem:$0x3FDB];
	_ =	sdelay $0x1  }
0x9a: {  	s5 =	simm.s32 $_scs_section_size  }
0x9b: {  	s6 =	simm.s32 $_size__tile_overlayer_lowered;
	s7 =	simm.s32 $_tile_overlayer_lowered  }
0x9c: {  	s22 =	simm.s32 $0x1BFF;
	s21 =	sshll.u32 s7, $0x1;
	s4 =	sadd.s32 s5, s19  }
0x9d: {  	s8 =	simm.s32 $0x0;
	s20 =	sshll.u32 s6, $0x1;
	s6 =	sadd.s32 s21, s4  }
0x9e: {  	[timem:s8], [sflag:s22] =	dma.local [hbm:s6], s20  }
0x9f: {  	_ =	swait.ge [sflag:s22], s20  }
0xa0: {  	s5 =	ssub.s32 $0x0, s20;
	[sflag:s22] =	ssyncset.done $0x0  }
0xa1: {  	[sflag:s22] =	ssyncadd.s32 s5;
	_ =	sdelay $0x1  }
0xa2: {  	s23 =	simm.s32 $0x1B8B  }
0xa3: {  	_ =	swait.ge [sflag:s23], $0x1  }
0xa4: {  	[sflag:s23] =	ssyncset.done $0x0  }
0xa5: {  	s25 =	simm.s32 $0x1B8E;
	s24 =	sld [smem:$0x3FFE];
	[sflag:s23] =	ssyncadd.s32 $0xFFFFFFFF  }
0xa6: {  	s26 =	simm.s32 $execute0_lowered;
	[smem:$0x3FD2] =	sst s25  }
0xa7: {  	s6 =	sshll.u32 s26, $0x1;
	_ =	strace $0x80000046;
	[dreg:$0x1] =	wrdreg $0xFFFFFFFF  }
0xa8: {  	s28 =	simm.s32 $_size_execute0_lowered;
	s4 =	sadd.s32 s4, s6;
	[dreg:$0x0] =	wrdreg $0x0  }
0xa9: {  	s6 =	sshll.u32 s28, $0x1;
	[dreg:$0x2] =	wrdreg s4  }
0xaa: {  	[dreg:$0x3] =	wrdreg s6  }
0xab: {  	[dreg:$0x4] =	wrdreg $0xC0  }
0xac: {  	_ =	task [dreg:s8], $0x5FFFF  }
0xad: {  	[dreg:$0x1] =	wrdreg $0xFFFFFFFF  }
0xae: {  	[dreg:$0x0] =	wrdreg $0x60  }
0xaf: {  	[dreg:$0x2] =	wrdreg s2  }
0xb0: {  	[dreg:$0x3] =	wrdreg s24  }
0xb1: {  	[dreg:$0x4] =	wrdreg s18  }
0xb2: {  	[dreg:$0x5] =	wrdreg $0x9  }
0xb3: {  	_ =	task.clear_ibuf [dreg:s8], $0x6FFFF;
	_ =	strace $0x90000046  }
0xb4: {  	s29 =	simm.s32 $0x9;
	_ =	strace $0x80000048  }
0xb5: {  	_ =	swait.ge [sflag:s29], $0x1  }
0xb6: {  	[sflag:s29] =	ssyncadd.s32 $0xFFFFFFFF  }
0xb7: {  	_ =	strace $0x90000048  }
0xb8: {  	_ =	sfence  }
0xb9: {  	s30 =	sld [smem:$0x0];
	_ =	sdelay $0x2  }
0xba: {  	s31 =	sshll.u32 s1, $0xD;
	s1 =	sshrl.u32 s1, $0x2  }
0xbb: {  	s3 =	sand.u32 $0x4000, s31;
	s1 =	sadd.s32 s1, s30  }
0xbc: {  	s0 =	sor.u32 s3, s0;
	s1 =	sshll.u32 s1, $0x11  }
0xbd: {  	s0 =	sor.u32 s1, s0  }
0xbe: {  	s0 =	sadd.s32 $0x8F2B, s0  }
0xbf: {  	[sflag:s0] =	ssyncadd.remote.s32 $0x1  }
0xc0: {  	_ =	sfence.sel $0xFFFF  }
0xc1: {  	[dreg:$0x0] =	wrdreg $0xFFFFFFFF;
	(pc) =	sbr.abs _section_cstart, $3  }
0xc2: {  	[dreg:$0x1] =	wrdreg $0xFFFFFFFF  }
0xc3: {  	_ =	task.clear_ibuf [dreg:s8], $0x2FFFF;
	_ =	strace $0x9FFFFFFF  }
0xc4: {  	(tm) =	ssettm $0x7FFFFFFF  }
0xc5: {  	_ =	shalt  }
tec
execute0_lowered:
.L_overlay_start_1:
0x0: {  	(tag) =	ssettag $0x1  }
0x1: {  	s1 =	rddreg [dreg:$0x0]  }
0x2: {  	s0 =	rddreg [dreg:$0x1];
	s2 =	srdreg.scid  }
0x3: {  	s10 =	stileid.u32;
	s6 =	rddreg [dreg:$0x2];
	s3 =	simm.s32 $0x0  }
0x4: {  	s11 =	simm.s32 $0x7;
	s12 =	simm.s32 $0x80;
	s13 =	simm.s32 $0x6400  }
0x5: {  	s14 =	simm.s32 $0xA400;
	s16 =	simm.s32 $0xE400;
	s18 =	simm.s32 $0x12400  }
0x6: {  	s20 =	simm.s32 $0x16400;
	s21 =	simm.s32 $0x280;
	s28 =	simm.s32 $0x5  }
0x7: {  	s2 =	sand.u32 $0x1, s2;
	s4 =	sshll.u32 s10, $0x1;
	s24 =	smul.u32 $0xC8000, s10  }
0x8: {  	s4 =	sor.u32 s2, s4;
	s7 =	ssub.s32 $0x2, s2;
	s2 =	smul.u32 $0x64000, s2  }
0x9: {  	s29 =	simm.s32 $0x6;
	s30 =	simm.s32 $0x6300;
	s5 =	smul.u32 $0x6400, s4  }
0xa: {  	s31 =	simm.s32 $0x6380;
	[smem:$0x7FF] =	sst s3;
	s8 =	smul.u32 $0x320000, s4  }
0xb: {  	_ =	strace $0x80000047;
	s22 =	sshrl.u32 s7, $0x1;
	s9 =	smul.u32 $0x64000, s4  }
0xc: {  	s7 =	ssub.s32 s7, s22;
	s22 =	simm.s32 $0x1A400;
	s5 =	sshrl.u32 s5, $0x3  }
0xd: {  	s23 =	sshrl.u32 s8, $0x3;
	s26 =	sadd.s32 s6, s9;
	s8 =	sadd.s32 s24, s6  }
0xe: {  	s24 =	simm.s32 $0x2;
	s0 =	sadd.s32 s5, s0;
	s25 =	sadd.s32 s6, s23  }
0xf: {  	s6 =	smax.u32 s7, $0x1;
	s7 =	sadd.s32 $0x60000, s26;
	s2 =	sadd.s32 s2, s8  }
0x10: {  	s8 =	sadd.s32 $0x61000, s26;
	s9 =	sadd.s32 $0x62000, s26;
	s23 =	simm.s32 $0x1  }
0x11: {  	s26 =	simm.s32 $0x4;
	s4 =	sadd.s32 $0x400, s0;
	s5 =	sadd.s32 $0x63000, s25  }
0x12: {  	s10 =	sadd.s32 $0x2000, s2;
	s25 =	simm.s32 $0x3;
	s2 =	simm.s32 $0x0  }
.LBB2_1:
0x13: {  	[tilespmem:s3], [sflag:$0x7] =	stream.linear.gather [hbm4b:s4+s3], $0x6400, $0x38;
	[tilespmem:$0x1E400] =	vst v63  }
0x14: {  	_ =	swait.ge [sflag:s11], $0x6400  }
0x15: {  	[sflag:s11] =	ssyncset.done $0x0  }
0x16: {  	[sflag:s11] =	ssyncadd.s32 $0xFFFF9C00  }
0x17: {  	[tilespmem:s13], [sflag:$0x1] =	stream.indirect.gather [hbm4b:s1+s12], $0x80, s3, s12, $0xb8;
	[tilespmem:$0x1E400] =	vst v63  }
0x18: {  	_ = 	snop  }
0x19: {  	[tilespmem:s14], [sflag:$0x1] =	stream.indirect.gather [hbm4b:s1+s12], $0x80, s12, s12, $0xb8;
	[tilespmem:$0x1E400] =	vst v63  }
0x1a: {  	s0 =	simm.s32 $0x100  }
0x1b: {  	[tilespmem:s16], [sflag:$0x2] =	stream.indirect.gather [hbm4b:s1+s12], $0x80, s0, s12, $0xb8;
	[tilespmem:$0x1E400] =	vst v63  }
0x1c: {  	s15 =	simm.s32 $0x180  }
0x1d: {  	[tilespmem:s18], [sflag:$0x2] =	stream.indirect.gather [hbm4b:s1+s12], $0x80, s15, s12, $0xb8;
	[tilespmem:$0x1E400] =	vst v63  }
0x1e: {  	s17 =	simm.s32 $0x200  }
0x1f: {  	[tilespmem:s20], [sflag:$0x3] =	stream.indirect.gather [hbm4b:s1+s12], $0x80, s17, s12, $0xb8;
	[tilespmem:$0x1E400] =	vst v63  }
0x20: {  	_ = 	snop  }
0x21: {  	[tilespmem:s22], [sflag:$0x3] =	stream.indirect.gather [hbm4b:s1+s12], $0x80, s21, s12, $0xb8;
	[tilespmem:$0x1E400] =	vst v63  }
0x22: {  	_ =	swait.ge [sflag:s23], $0x4000  }
0x23: {  	[sflag:s23] =	ssyncset.done $0x0  }
0x24: {  	[sflag:s23] =	ssyncadd.s32 $0xFFFFC000  }
0x25: {  	_ =	swait.ge [sflag:s23], $0x4000  }
0x26: {  	[sflag:s23] =	ssyncset.done $0x0  }
0x27: {  	s19 =	sadd.s32 $0xFFFFE000, s10;
	[sflag:s23] =	ssyncadd.s32 $0xFFFFC000  }
0x28: {  	[hbm4b:s19+s3] =	stream.linear.scatter [tilespmem:s13], [sflag:$0x4], $0x8000, $0x38;
	[tilespmem:$0x1E400] =	vst v63  }
0x29: {  	_ =	swait.ge [sflag:s24], $0x4000  }
0x2a: {  	[sflag:s24] =	ssyncset.done $0x0  }
0x2b: {  	[sflag:s24] =	ssyncadd.s32 $0xFFFFC000  }
0x2c: {  	_ =	swait.ge [sflag:s24], $0x4000  }
0x2d: {  	[sflag:s24] =	ssyncset.done $0x0  }
0x2e: {  	s15 =	sadd.s32 $0xFFFFF000, s10;
	[sflag:s24] =	ssyncadd.s32 $0xFFFFC000  }
0x2f: {  	[hbm4b:s15+s3] =	stream.linear.scatter [tilespmem:s16], [sflag:$0x5], $0x8000, $0x38;
	[tilespmem:$0x1E400] =	vst v63  }
0x30: {  	_ =	swait.ge [sflag:s25], $0x4000  }
0x31: {  	[sflag:s25] =	ssyncset.done $0x0  }
0x32: {  	[sflag:s25] =	ssyncadd.s32 $0xFFFFC000  }
0x33: {  	_ =	swait.ge [sflag:s25], $0x4000  }
0x34: {  	[sflag:s25] =	ssyncset.done $0x0  }
0x35: {  	[sflag:s25] =	ssyncadd.s32 $0xFFFFC000  }
0x36: {  	[hbm4b:s10+s3] =	stream.linear.scatter [tilespmem:s20], [sflag:$0x6], $0x8000, $0x38;
	[tilespmem:$0x1E400] =	vst v63  }
0x37: {  	_ =	swait.ge [sflag:s26], $0x8000  }
0x38: {  	[sflag:s26] =	ssyncset.done $0x0  }
0x39: {  	s17 =	simm.s32 $0x300;
	[sflag:s26] =	ssyncadd.s32 $0xFFFF8000  }
0x3a: {  	[tilespmem:s13], [sflag:$0x1] =	stream.indirect.gather [hbm4b:s1+s12], $0x80, s17, s12, $0xb8;
	[tilespmem:$0x1E400] =	vst v63  }
0x3b: {  	s19 =	simm.s32 $0x380  }
0x3c: {  	[tilespmem:s14], [sflag:$0x1] =	stream.indirect.gather [hbm4b:s1+s12], $0x80, s19, s12, $0xb8;
	[tilespmem:$0x1E400] =	vst v63  }
0x3d: {  	_ =	swait.ge [sflag:s28], $0x8000  }
0x3e: {  	[sflag:s28] =	ssyncset.done $0x0  }
0x3f: {  	s15 =	simm.s32 $0x400;
	[sflag:s28] =	ssyncadd.s32 $0xFFFF8000  }
0x40: {  	[tilespmem:s16], [sflag:$0x2] =	stream.indirect.gather [hbm4b:s1+s12], $0x80, s15, s12, $0xb8;
	[tilespmem:$0x1E400] =	vst v63  }
0x41: {  	s17 =	simm.s32 $0x480  }
0x42: {  	[tilespmem:s18], [sflag:$0x2] =	stream.indirect.gather [hbm4b:s1+s12], $0x80, s17, s12, $0xb8;
	[tilespmem:$0x1E400] =	vst v63  }
0x43: {  	_ =	swait.ge [sflag:s29], $0x8000  }
0x44: {  	s0 =	simm.s32 $0xC00;
	s19 =	simm.s32 $0x500;
	[sflag:s29] =	ssyncset.done $0x0  }
0x45: {  	s15 =	sadd.s32 $0x3000, s10;
	s17 =	simm.s32 $0x580;
	[sflag:s29] =	ssyncadd.s32 $0xFFFF8000  }
0x46: {  	[tilespmem:s20], [sflag:$0x3] =	stream.indirect.gather [hbm4b:s1+s12], $0x80, s19, s12, $0xb8;
	[tilespmem:$0x1E400] =	vst v63  }
.LBB2_2:
0x47: {  	[tilespmem:s22], [sflag:$0x3] =	stream.indirect.gather [hbm4b:s1+s12], $0x80, s17, s12, $0xb8;
	[tilespmem:$0x1E400] =	vst v63  }
0x48: {  	s17 =	smov.u32 s0  }
0x49: {  	p0 =	sne.s32 s0, $0x17400;
	s0 =	sadd.s32 $0xC00, s0;
	_ =	swait.ge [sflag:s23], $0x4000  }
0x4a: {  	[sflag:s23] =	ssyncset.done $0x0  }
0x4b: {  	[sflag:s23] =	ssyncadd.s32 $0xFFFFC000  }
0x4c: {  	_ =	swait.ge [sflag:s23], $0x4000  }
0x4d: {  	[sflag:s23] =	ssyncset.done $0x0  }
0x4e: {  	s19 =	sadd.s32 $0xFFFFE000, s15;
	[sflag:s23] =	ssyncadd.s32 $0xFFFFC000  }
0x4f: {  	[hbm4b:s19+s3] =	stream.linear.scatter [tilespmem:s13], [sflag:$0x4], $0x8000, $0x38;
	[tilespmem:$0x1E400] =	vst v63  }
0x50: {  	_ =	swait.ge [sflag:s24], $0x4000  }
0x51: {  	[sflag:s24] =	ssyncset.done $0x0  }
0x52: {  	[sflag:s24] =	ssyncadd.s32 $0xFFFFC000  }
0x53: {  	_ =	swait.ge [sflag:s24], $0x4000  }
0x54: {  	[sflag:s24] =	ssyncset.done $0x0  }
0x55: {  	s19 =	sadd.s32 $0xFFFFF000, s15;
	[sflag:s24] =	ssyncadd.s32 $0xFFFFC000  }
0x56: {  	[hbm4b:s19+s3] =	stream.linear.scatter [tilespmem:s16], [sflag:$0x5], $0x8000, $0x38;
	[tilespmem:$0x1E400] =	vst v63  }
0x57: {  	_ =	swait.ge [sflag:s25], $0x4000  }
0x58: {  	[sflag:s25] =	ssyncset.done $0x0  }
0x59: {  	[sflag:s25] =	ssyncadd.s32 $0xFFFFC000  }
0x5a: {  	_ =	swait.ge [sflag:s25], $0x4000  }
0x5b: {  	[sflag:s25] =	ssyncset.done $0x0  }
0x5c: {  	[sflag:s25] =	ssyncadd.s32 $0xFFFFC000  }
0x5d: {  	[hbm4b:s15+s3] =	stream.linear.scatter [tilespmem:s20], [sflag:$0x6], $0x8000, $0x38;
	[tilespmem:$0x1E400] =	vst v63  }
0x5e: {  	_ =	swait.ge [sflag:s26], $0x8000  }
0x5f: {  	s17 =	sshra.s32 s17, $0x2;
	[sflag:s26] =	ssyncset.done $0x0  }
0x60: {  	s19 =	sadd.s32 $0x300, s17;
	[sflag:s26] =	ssyncadd.s32 $0xFFFF8000  }
0x61: {  	[tilespmem:s13], [sflag:$0x1] =	stream.indirect.gather [hbm4b:s1+s12], $0x80, s19, s12, $0xb8;
	[tilespmem:$0x1E400] =	vst v63  }
0x62: {  	s19 =	sadd.s32 $0x380, s17  }
0x63: {  	[tilespmem:s14], [sflag:$0x1] =	stream.indirect.gather [hbm4b:s1+s12], $0x80, s19, s12, $0xb8;
	[tilespmem:$0x1E400] =	vst v63  }
0x64: {  	_ =	swait.ge [sflag:s28], $0x8000  }
0x65: {  	[sflag:s28] =	ssyncset.done $0x0  }
0x66: {  	s19 =	sadd.s32 $0x400, s17;
	[sflag:s28] =	ssyncadd.s32 $0xFFFF8000  }
0x67: {  	[tilespmem:s16], [sflag:$0x2] =	stream.indirect.gather [hbm4b:s1+s12], $0x80, s19, s12, $0xb8;
	[tilespmem:$0x1E400] =	vst v63  }
0x68: {  	s19 =	sadd.s32 $0x480, s17  }
0x69: {  	[tilespmem:s18], [sflag:$0x2] =	stream.indirect.gather [hbm4b:s1+s12], $0x80, s19, s12, $0xb8;
	[tilespmem:$0x1E400] =	vst v63  }
.Ltmp0:
0x6a: {  	_ =	swait.ge [sflag:s29], $0x8000;
	(pc) =	sbr.rel @p0 .LBB2_2-.Ltmp0, $4  }
0x6b: {  	[sflag:s29] =	ssyncset.done $0x0  }
0x6c: {  	s19 =	sadd.s32 $0x500, s17;
	[sflag:s29] =	ssyncadd.s32 $0xFFFF8000  }
0x6d: {  	[tilespmem:s20], [sflag:$0x3] =	stream.indirect.gather [hbm4b:s1+s12], $0x80, s19, s12, $0xb8;
	[tilespmem:$0x1E400] =	vst v63  }
0x6e: {  	s15 =	sadd.s32 $0x3000, s15;
	s17 =	sadd.s32 $0x580, s17  }
0x6f: {  	[tilespmem:s22], [sflag:$0x3] =	stream.indirect.gather [hbm4b:s1+s12], $0x80, s17, s12, $0xb8;
	[tilespmem:$0x1E400] =	vst v63  }
0x70: {  	_ =	swait.ge [sflag:s23], $0x4000  }
0x71: {  	[sflag:s23] =	ssyncset.done $0x0  }
0x72: {  	[sflag:s23] =	ssyncadd.s32 $0xFFFFC000  }
0x73: {  	_ =	swait.ge [sflag:s23], $0x4000  }
0x74: {  	[sflag:s23] =	ssyncset.done $0x0  }
0x75: {  	[sflag:s23] =	ssyncadd.s32 $0xFFFFC000  }
0x76: {  	[hbm4b:s7+s3] =	stream.linear.scatter [tilespmem:s13], [sflag:$0x4], $0x8000, $0x38;
	[tilespmem:$0x1E400] =	vst v63  }
0x77: {  	_ =	swait.ge [sflag:s24], $0x4000  }
0x78: {  	[sflag:s24] =	ssyncset.done $0x0  }
0x79: {  	[sflag:s24] =	ssyncadd.s32 $0xFFFFC000  }
0x7a: {  	_ =	swait.ge [sflag:s24], $0x4000  }
0x7b: {  	[sflag:s24] =	ssyncset.done $0x0  }
0x7c: {  	[sflag:s24] =	ssyncadd.s32 $0xFFFFC000  }
0x7d: {  	[hbm4b:s8+s3] =	stream.linear.scatter [tilespmem:s16], [sflag:$0x5], $0x8000, $0x38;
	[tilespmem:$0x1E400] =	vst v63  }
0x7e: {  	_ =	swait.ge [sflag:s25], $0x4000  }
0x7f: {  	[sflag:s25] =	ssyncset.done $0x0  }
0x80: {  	[sflag:s25] =	ssyncadd.s32 $0xFFFFC000  }
0x81: {  	_ =	swait.ge [sflag:s25], $0x4000  }
0x82: {  	[sflag:s25] =	ssyncset.done $0x0  }
0x83: {  	[sflag:s25] =	ssyncadd.s32 $0xFFFFC000  }
0x84: {  	[hbm4b:s9+s3] =	stream.linear.scatter [tilespmem:s20], [sflag:$0x6], $0x8000, $0x38;
	[tilespmem:$0x1E400] =	vst v63  }
0x85: {  	_ =	swait.ge [sflag:s26], $0x8000  }
0x86: {  	[sflag:s26] =	ssyncset.done $0x0  }
0x87: {  	[sflag:s26] =	ssyncadd.s32 $0xFFFF8000  }
0x88: {  	[tilespmem:s13], [sflag:$0x1] =	stream.indirect.gather [hbm4b:s1+s12], $0x80, s30, s12, $0xb8;
	[tilespmem:$0x1E400] =	vst v63  }
0x89: {  	_ = 	snop  }
0x8a: {  	[tilespmem:s14], [sflag:$0x1] =	stream.indirect.gather [hbm4b:s1+s12], $0x80, s31, s12, $0xb8;
	[tilespmem:$0x1E400] =	vst v63  }
0x8b: {  	_ =	swait.ge [sflag:s28], $0x8000  }
0x8c: {  	[sflag:s28] =	ssyncset.done $0x0  }
0x8d: {  	[sflag:s28] =	ssyncadd.s32 $0xFFFF8000  }
0x8e: {  	[tilespmem:s16], [sflag:$0x2] =	stream.indirect.gather [hbm4b:s1+s12], $0x80, s30, s12, $0xb8;
	[tilespmem:$0x1E400] =	vst v63  }
0x8f: {  	_ = 	snop  }
0x90: {  	[tilespmem:s18], [sflag:$0x2] =	stream.indirect.gather [hbm4b:s1+s12], $0x80, s31, s12, $0xb8;
	[tilespmem:$0x1E400] =	vst v63  }
0x91: {  	_ =	swait.ge [sflag:s29], $0x8000  }
0x92: {  	[sflag:s29] =	ssyncset.done $0x0  }
0x93: {  	[sflag:s29] =	ssyncadd.s32 $0xFFFF8000  }
0x94: {  	[tilespmem:s20], [sflag:$0x3] =	stream.indirect.gather [hbm4b:s1+s12], $0x80, s30, s12, $0xb8;
	[tilespmem:$0x1E400] =	vst v63  }
0x95: {  	_ = 	snop  }
0x96: {  	[tilespmem:s22], [sflag:$0x3] =	stream.indirect.gather [hbm4b:s1+s12], $0x80, s31, s12, $0xb8;
	[tilespmem:$0x1E400] =	vst v63  }
0x97: {  	_ =	swait.ge [sflag:s23], $0x4000  }
0x98: {  	[sflag:s23] =	ssyncset.done $0x0  }
0x99: {  	[sflag:s23] =	ssyncadd.s32 $0xFFFFC000  }
0x9a: {  	_ =	swait.ge [sflag:s23], $0x4000  }
0x9b: {  	[sflag:s23] =	ssyncset.done $0x0  }
0x9c: {  	[sflag:s23] =	ssyncadd.s32 $0xFFFFC000  }
0x9d: {  	[hbm4b:s5+s3] =	stream.linear.scatter [tilespmem:s13], [sflag:$0x7], $0x8000, $0x38;
	[tilespmem:$0x1E400] =	vst v63  }
0x9e: {  	_ =	swait.ge [sflag:s11], $0x8000  }
0x9f: {  	[sflag:s11] =	ssyncset.done $0x0  }
0xa0: {  	[sflag:s11] =	ssyncadd.s32 $0xFFFF8000  }
0xa1: {  	_ =	swait.ge [sflag:s24], $0x4000  }
0xa2: {  	[sflag:s24] =	ssyncset.done $0x0  }
0xa3: {  	[sflag:s24] =	ssyncadd.s32 $0xFFFFC000  }
0xa4: {  	_ =	swait.ge [sflag:s24], $0x4000  }
0xa5: {  	[sflag:s24] =	ssyncset.done $0x0  }
0xa6: {  	s2 =	sadd.s32 $0x1, s2;
	[sflag:s24] =	ssyncadd.s32 $0xFFFFC000  }
0xa7: {  	p0 =	sne.s32 s2, s6;
	_ =	swait.ge [sflag:s25], $0x4000  }
.Ltmp1:
0xa8: {  	[sflag:s25] =	ssyncset.done $0x0;
	(pc) =	sbr.rel @p0 .LBB2_1-.Ltmp1, $4  }
0xa9: {  	[sflag:s25] =	ssyncadd.s32 $0xFFFFC000  }
0xaa: {  	_ =	swait.ge [sflag:s25], $0x4000  }
0xab: {  	[sflag:s25] =	ssyncset.done $0x0  }
0xac: {  	[sflag:s25] =	ssyncadd.s32 $0xFFFFC000  }
0xad: {  	_ =	sfence.sel $0x180000  }
0xae: {  	[bflag:$0x0] =	sbarrier.arrive $0xFFFF  }
0xaf: {  	_ =	strace $0x90000047  }
0xb0: {  	s0 =	stileid.u32;
	[bflag:$0x2] =	sbarrier.arrive $0xFFFF  }
0xb1: {  	p0 =	sne.s32 s0, $0x0;
	s0 =	rddreg [dreg:$0x3]  }
0xb2: {  	s0 =	sadd.s32 @!p0 $0x100000, s0  }
0xb3: {  	[sflag:s0] =	ssyncadd.tile.s32 @!p0 $0x1;
	_ =	shalt  }
.Lfunc_end2:
_tile_overlayer_lowered:
.L_overlay_start_2:
0xb4: {  	(tag) =	ssettag $0x2  }
0xb5: {  	s0 =	rddreg [dreg:$0x0];
	s2 =	stileid.u32  }
0xb6: {  	s1 =	rddreg [dreg:$0x1];
	p0 =	sne.s32 s2, $0x0  }
0xb7: {  	s3 =	rddreg [dreg:$0x2];
	[bflag:$0x3] =	sbarrier.arrive $0xFFFF;
	s2 =	simm.s32 @!p0 $0x1C07  }
0xb8: {  	[timem:s3], [sflag:s2] =	dma.local @!p0 [hbm:s0], s1  }
0xb9: {  	s0 =	simm.s32 @!p0 $0x7  }
0xba: {  	_ =	swait.ge @!p0 [sflag:s0], s1  }
0xbb: {  	s1 =	ssub.s32 @!p0 $0x0, s1;
	[sflag:s0] =	ssyncset.done @!p0 $0x0  }
0xbc: {  	[sflag:s0] =	ssyncadd.s32 @!p0 s1  }
0xbd: {  	[bflag:$0x3] =	sbarrier.arrive $0xFFFF  }
0xbe: {  	_ =	shalt  }

</sc_bundles>
